<compile_context>
chip_gen: v7x
topology: tpu7x:2x2x1
jax: 0.10.2.dev20260603
libtpu: 0.0.44.dev20260713+nightly
codegen_flags: <defaults>
</compile_context>

<pallas_src>
import functools

import jax
import jax.numpy as jnp
from jax import lax
from jax.experimental import pallas as pl
from jax.experimental.pallas import tpu as pltpu
from jax.experimental.pallas import tpu_sc as plsc

_NC = 2
_NS = 16


def _sc_gather(nodes_flat, emb_table):
    bn = nodes_flat.shape[0]
    d = emb_table.shape[1]
    nw = _NC * _NS
    b_per_w = bn // nw
    mesh = plsc.VectorSubcoreMesh(core_axis_name="c", subcore_axis_name="s")

    @functools.partial(
        pl.kernel,
        mesh=mesh,
        out_type=jax.ShapeDtypeStruct((bn, d), jnp.float32),
        scratch_types=[
            pltpu.VMEM((b_per_w,), jnp.int32),
            pltpu.VMEM((b_per_w, d), jnp.float32),
            pltpu.SemaphoreType.DMA,
        ],
        compiler_params=pltpu.CompilerParams(use_tc_tiling_on_sc=False),
    )
    def gather_kernel(idx_hbm, table_hbm, out_hbm, idx_v, rows_v, sem):
        wid = lax.axis_index("s") * _NC + lax.axis_index("c")
        base = wid * b_per_w
        pltpu.sync_copy(idx_hbm.at[pl.ds(base, b_per_w)], idx_v)
        pltpu.async_copy(table_hbm.at[idx_v], rows_v, sem).wait()
        pltpu.sync_copy(rows_v, out_hbm.at[pl.ds(base, b_per_w)])

    return gather_kernel(nodes_flat, emb_table)


_G = 8


def _tc_body(adj_ref, npm_ref, h0_ref, tm_ref, pos_ref, w_ref, gw_ref,
             gb_ref, tt_ref, out_ref):
    g, n, _ = adj_ref.shape
    d = h0_ref.shape[-1]
    l = npm_ref.shape[-1]
    npm = npm_ref[...].reshape(g * n, l)
    h0 = h0_ref[...]
    tm4 = tm_ref[...].reshape(g * n, 4)

    f32 = jnp.float32
    ones_row = jnp.ones((1, d), f32)

    kinds = lax.broadcasted_iota(jnp.int32, (g * n, 4), 1)
    onehot = (tm4 == kinds).astype(f32)

    tw = jnp.dot(tt_ref[...], w_ref[d:2 * d, :], preferred_element_type=f32)
    t_term = jnp.dot(onehot, tw, preferred_element_type=f32)
    mrows = (lax.broadcasted_iota(jnp.int32, (4, d), 0) > 0).astype(f32)
    vmask = jnp.dot(onehot, mrows, preferred_element_type=f32)

    pe_raw = jnp.dot(npm, pos_ref[...], preferred_element_type=f32)
    pn1 = jnp.sum(npm, axis=-1, keepdims=True)
    ipn = jnp.dot(1.0 / (pn1 + 1e-9), ones_row, preferred_element_type=f32)
    pe = pe_raw * ipn * vmask

    h = (jnp.dot(h0, w_ref[0:d, :], preferred_element_type=f32)
         + jnp.dot(pe, w_ref[2 * d:3 * d, :], preferred_element_type=f32)
         + t_term)

    a = (adj_ref[...] > 0).astype(f32)
    deg1 = jnp.sum(a, axis=-1, keepdims=True).reshape(g * n, 1)
    rdeg = jnp.dot(1.0 / (deg1 + 1e-9), ones_row, preferred_element_type=f32)

    gw = gw_ref[...]
    gb = gb_ref[0]
    for _ in range(2):
        agg = lax.dot_general(
            a, h.reshape(g, n, d), (((2,), (1,)), ((0,), (0,))),
            preferred_element_type=f32).reshape(g * n, d) * rdeg
        h = jnp.maximum(
            jnp.dot(agg, gw, preferred_element_type=f32) + gb, 0.0) * vmask

    out_ref[...] = h.reshape(g, n, d)


def _tc_call(adj, npm, h0, tm3, pos, w_pos_type, gcn_W, gcn_b2, type_table,
             interpret=False):
    b, n = adj.shape[:2]
    d = h0.shape[-1]
    l = npm.shape[-1]
    g = _G
    return pl.pallas_call(
        _tc_body,
        grid=(b // g,),
        in_specs=[
            pl.BlockSpec((g, n, n), lambda i: (i, 0, 0)),
            pl.BlockSpec((g, n, l), lambda i: (i, 0, 0)),
            pl.BlockSpec((g * n, d), lambda i: (i, 0)),
            pl.BlockSpec((g, n, 4), lambda i: (i, 0, 0)),
            pl.BlockSpec((l, d), lambda i: (0, 0)),
            pl.BlockSpec((3 * d, d), lambda i: (0, 0)),
            pl.BlockSpec((d, d), lambda i: (0, 0)),
            pl.BlockSpec((1, d), lambda i: (0, 0)),
            pl.BlockSpec((4, d), lambda i: (0, 0)),
        ],
        out_specs=pl.BlockSpec((g, n, d), lambda i: (i, 0, 0)),
        out_shape=jax.ShapeDtypeStruct((b, n, d), jnp.float32),
        compiler_params=pltpu.CompilerParams(
            dimension_semantics=("parallel",)),
        interpret=interpret,
    )(adj, npm, h0, tm3, pos, w_pos_type, gcn_W, gcn_b2, type_table)


def kernel(adj, nodes, node_type_mask, node_pos_matrix, emb_table, type_table,
           pos_table, w_pos_type, gcn_W, gcn_b):
    b, n = nodes.shape
    d = emb_table.shape[1]
    l = node_pos_matrix.shape[-1]

    nodes_flat = nodes.reshape(-1).astype(jnp.int32)
    h0 = _sc_gather(nodes_flat, emb_table)

    tm4 = jnp.broadcast_to(
        node_type_mask.astype(jnp.int32)[..., None], (b, n, 4))
    return _tc_call(adj, node_pos_matrix, h0, tm4, pos_table[:l],
                    w_pos_type, gcn_W, gcn_b.reshape(1, d), type_table)

# --- scband reference (transcript-rebuilt; emitter-appended) ---
"""Pipeline reference for scband-vlgraph-37546604102432 (READ-ONLY COPY).

The authoritative reference and input builder live on the scoring server;
editing this copy changes nothing except your own understanding.
"""

import jax, jax.numpy as jnp
import numpy as np

N_ITEMS = 100000
DIM = 64
MAX_SEQ = 50
MAX_NODE = 150  # max_seq_len * 3
B = 256
N_LAYER = 2


def setup_inputs(seed: int = 0) -> dict:
    key = jax.random.key(seed)
    ks = jax.random.split(key, 10)
    adj = jax.random.randint(ks[0], (B, MAX_NODE, MAX_NODE), 0, 3).astype(jnp.float32)
    nodes = jax.random.randint(ks[1], (B, MAX_NODE), 0, 3 * N_ITEMS + 1)
    node_type_mask = jax.random.randint(ks[2], (B, MAX_NODE), 0, 4)
    node_pos_matrix = jax.random.randint(ks[3], (B, MAX_NODE, MAX_SEQ), 0, 2).astype(jnp.float32)
    emb_table = jax.random.normal(ks[4], (3 * N_ITEMS + 1, DIM), jnp.float32) * 0.02
    emb_table = emb_table.at[0].set(0.0)  # padding_idx=0
    type_table = jax.random.normal(ks[5], (4, DIM), jnp.float32) * 0.02
    pos_table = jax.random.normal(ks[6], (200, DIM), jnp.float32) * 0.02
    w_pos_type = jax.random.normal(ks[7], (3 * DIM, DIM), jnp.float32) * 0.05
    gcn_W = jax.random.normal(ks[8], (DIM, DIM), jnp.float32) * 0.05
    gcn_b = jnp.zeros((DIM,), jnp.float32)
    return {"adj": adj, "nodes": nodes, "node_type_mask": node_type_mask,
            "node_pos_matrix": node_pos_matrix, "emb_table": emb_table,
            "type_table": type_table, "pos_table": pos_table,
            "w_pos_type": w_pos_type, "gcn_W": gcn_W, "gcn_b": gcn_b}


def reference(adj, nodes, node_type_mask, node_pos_matrix, emb_table, type_table,
              pos_table, w_pos_type, gcn_W, gcn_b):
    # VLGraph.forward in eval mode (dropout = 0), aggregator='gcn'
    h = jnp.take(emb_table, nodes, axis=0)                      # (B, N, D) embedding gather
    t = jnp.take(type_table, node_type_mask, axis=0)            # node-type embedding
    L = node_pos_matrix.shape[-1]
    pe = jnp.matmul(node_pos_matrix, pos_table[:L])             # positional aggregation
    pn = node_pos_matrix.sum(axis=-1, keepdims=True)
    pe = pe / (pn + 1e-09)
    vmask = jnp.clip(node_type_mask, 0, 1).astype(h.dtype)[..., None]
    pe = pe * vmask
    h = jnp.matmul(jnp.concatenate([h, t, pe], axis=-1), w_pos_type)
    # dense GCN aggregation over per-session heterogeneous graph
    A = (adj > 0).astype(h.dtype)
    deg = A.sum(axis=-1, keepdims=True)
    A = A / (deg + 1e-09)
    for _ in range(N_LAYER):
        h = jax.nn.relu(jnp.einsum('bij,bjd->bid', A, h) @ gcn_W + gcn_b)
        h = h * vmask
    return h

if __name__ == "__main__":
    import jax
    _d = setup_inputs()
    print(jax.jit(kernel)(*tuple(_d.values())))

</pallas_src>

<mosaic_0001>
#map = affine_map<(d0, d1) -> (0)>
#map1 = affine_map<(d0, d1) -> (0, 0)>
module attributes {stable_mosaic.version = 14 : i64} {
  func.func @gather_kernel(%arg0: i32, %arg1: i32, %arg2: memref<38400xi32, #tpu.memory_space<hbm>>, %arg3: memref<300001x64xf32, #tpu.memory_space<hbm>>, %arg4: memref<38400x64xf32, #tpu.memory_space<hbm>>, %arg5: memref<1200xi32, #tpu.memory_space<vmem>>, %arg6: memref<1200x64xf32, #tpu.memory_space<vmem>>, %arg7: memref<!tpu.dma_semaphore, #tpu.memory_space<semaphore_mem>>) attributes {dimension_semantics = [#tpu.dimension_semantics<core_parallel>, #tpu.dimension_semantics<subcore_parallel>], iteration_bounds = array<i64: 2, 16>, scalar_prefetch = 0 : i64, scratch_operands = 3 : i64, tpu.core_type = #tpu.core_type<sc_vector_subcore>, window_params = [{transform_indices = #map}, {transform_indices = #map1}, {transform_indices = #map1}]} {
    %mul3A = arith.constant 2 : i32
    %mul3A_0 = arith.muli %arg1, %mul3A : i32
    %add3A = arith.addi %mul3A_0, %arg0 : i32
    %mul3A_1 = arith.constant 1200 : i32
    %mul3A_2 = arith.muli %add3A, %mul3A_1 : i32
    "tpu.region"() ({
      %run_scoped3A = tpu.sem_alloc : memref<!tpu.dma_semaphore, #tpu.memory_space<semaphore_mem>>
      %dma_start3A_7 = tpu.memref_slice %arg2[%mul3A_2] : memref<38400xi32, #tpu.memory_space<hbm>> -> memref<1200xi32, #tpu.memory_space<hbm>>
      %dma_start3A_8 = tpu.memref_slice %arg2[%mul3A_2] : memref<38400xi32, #tpu.memory_space<hbm>> -> memref<1200xi32, #tpu.memory_space<hbm>>
      tpu.enqueue_dma source(%dma_start3A_8 : memref<1200xi32, #tpu.memory_space<hbm>>) target(%arg5 : memref<1200xi32, #tpu.memory_space<vmem>>) target_semaphore(%run_scoped3A : memref<!tpu.dma_semaphore, #tpu.memory_space<semaphore_mem>>)
      %dma_wait3A_9 = tpu.memref_slice %arg2[%mul3A_2] : memref<38400xi32, #tpu.memory_space<hbm>> -> memref<1200xi32, #tpu.memory_space<hbm>>
      %dma_wait3A_10 = tpu.memref_slice %arg2[%mul3A_2] : memref<38400xi32, #tpu.memory_space<hbm>> -> memref<1200xi32, #tpu.memory_space<hbm>>
      tpu.wait_dma2 semaphore(%run_scoped3A : memref<!tpu.dma_semaphore, #tpu.memory_space<semaphore_mem>>) src(%dma_wait3A_10 : memref<1200xi32, #tpu.memory_space<hbm>>) dst(%arg5 : memref<1200xi32, #tpu.memory_space<vmem>>)
      tpu.yield
    }) : () -> ()
    %dma_start3A = arith.constant 0 : i32
    %dma_start3A_3 = arith.constant 0 : i32
    %dma_start3A_4 = tpu.memref_slice %arg3[%dma_start3A, %dma_start3A_3] : memref<300001x64xf32, #tpu.memory_space<hbm>> -> memref<300001x64xf32, #tpu.memory_space<hbm>>
    tpu.enqueue_indirect_dma source(%dma_start3A_4 : memref<300001x64xf32, #tpu.memory_space<hbm>>) target(%arg6 : memref<1200x64xf32, #tpu.memory_space<vmem>>) offsets(%arg5 : memref<1200xi32, #tpu.memory_space<vmem>>) semaphore(%arg7 : memref<!tpu.dma_semaphore, #tpu.memory_space<semaphore_mem>>)
    %dma_wait3A = arith.constant 0 : i32
    %dma_wait3A_5 = arith.constant 0 : i32
    %dma_wait3A_6 = tpu.memref_slice %arg3[%dma_wait3A, %dma_wait3A_5] : memref<300001x64xf32, #tpu.memory_space<hbm>> -> memref<300001x64xf32, #tpu.memory_space<hbm>>
    tpu.wait_indirect_dma semaphore(%arg7 : memref<!tpu.dma_semaphore, #tpu.memory_space<semaphore_mem>>) src(%dma_wait3A_6 : memref<300001x64xf32, #tpu.memory_space<hbm>>) dst(%arg6 : memref<1200x64xf32, #tpu.memory_space<vmem>>)
    "tpu.region"() ({
      %run_scoped3A = tpu.sem_alloc : memref<!tpu.dma_semaphore, #tpu.memory_space<semaphore_mem>>
      %dma_start3A_7 = arith.constant 0 : i32
      %dma_start3A_8 = tpu.memref_slice %arg4[%mul3A_2, %dma_start3A_7] : memref<38400x64xf32, #tpu.memory_space<hbm>> -> memref<1200x64xf32, #tpu.memory_space<hbm>>
      %dma_start3A_9 = arith.constant 0 : i32
      %dma_start3A_10 = tpu.memref_slice %arg4[%mul3A_2, %dma_start3A_9] : memref<38400x64xf32, #tpu.memory_space<hbm>> -> memref<1200x64xf32, #tpu.memory_space<hbm>>
      tpu.enqueue_dma source(%arg6 : memref<1200x64xf32, #tpu.memory_space<vmem>>) target(%dma_start3A_10 : memref<1200x64xf32, #tpu.memory_space<hbm>>) target_semaphore(%run_scoped3A : memref<!tpu.dma_semaphore, #tpu.memory_space<semaphore_mem>>)
      %dma_wait3A_11 = arith.constant 0 : i32
      %dma_wait3A_12 = tpu.memref_slice %arg4[%mul3A_2, %dma_wait3A_11] : memref<38400x64xf32, #tpu.memory_space<hbm>> -> memref<1200x64xf32, #tpu.memory_space<hbm>>
      %dma_wait3A_13 = arith.constant 0 : i32
      %dma_wait3A_14 = tpu.memref_slice %arg4[%mul3A_2, %dma_wait3A_13] : memref<38400x64xf32, #tpu.memory_space<hbm>> -> memref<1200x64xf32, #tpu.memory_space<hbm>>
      tpu.wait_dma2 semaphore(%run_scoped3A : memref<!tpu.dma_semaphore, #tpu.memory_space<semaphore_mem>>) src(%arg6 : memref<1200x64xf32, #tpu.memory_space<vmem>>) dst(%dma_wait3A_14 : memref<1200x64xf32, #tpu.memory_space<hbm>>)
      tpu.yield
    }) : () -> ()
    return
  }
}

module attributes {stable_mosaic.version = 14 : i64} {
  func.func @_tc_body(%arg0: i32, %arg1: memref<8x150x150xf32, #tpu.memory_space<vmem>>, %arg2: memref<8x150x50xf32, #tpu.memory_space<vmem>>, %arg3: memref<1200x64xf32, #tpu.memory_space<vmem>>, %arg4: memref<8x150x4xi32, #tpu.memory_space<vmem>>, %arg5: memref<50x64xf32, #tpu.memory_space<vmem>>, %arg6: memref<192x64xf32, #tpu.memory_space<vmem>>, %arg7: memref<64x64xf32, #tpu.memory_space<vmem>>, %arg8: memref<1x64xf32, #tpu.memory_space<vmem>>, %arg9: memref<4x64xf32, #tpu.memory_space<vmem>>, %arg10: memref<8x150x64xf32, #tpu.memory_space<vmem>>) attributes {dimension_semantics = [#tpu.dimension_semantics<parallel>], iteration_bounds = array<i64: 32>, scalar_prefetch = 0 : i64, scratch_operands = 0 : i64, tpu.core_type = #tpu.core_type<tc>, window_params = [{transform_indices = @transform_0, window_bounds = array<i64: 8, 150, 150>}, {transform_indices = @transform_1, window_bounds = array<i64: 8, 150, 50>}, {transform_indices = @transform_2, window_bounds = array<i64: 1200, 64>}, {transform_indices = @transform_3, window_bounds = array<i64: 8, 150, 4>}, {pipeline_mode = #tpu.pipeline_mode<synchronous>, transform_indices = @transform_4, window_bounds = array<i64: 50, 64>}, {pipeline_mode = #tpu.pipeline_mode<synchronous>, transform_indices = @transform_5, window_bounds = array<i64: 192, 64>}, {pipeline_mode = #tpu.pipeline_mode<synchronous>, transform_indices = @transform_6, window_bounds = array<i64: 64, 64>}, {pipeline_mode = #tpu.pipeline_mode<synchronous>, transform_indices = @transform_7, window_bounds = array<i64: 1, 64>}, {pipeline_mode = #tpu.pipeline_mode<synchronous>, transform_indices = @transform_8, window_bounds = array<i64: 4, 64>}, {transform_indices = @transform_9, window_bounds = array<i64: 8, 150, 64>}]} {
    %get3A = arith.constant 0 : index
    %get3A_0 = arith.constant 0 : index
    %get3A_1 = arith.constant 0 : index
    %get3A_2 = vector.load %arg2[%get3A, %get3A_0, %get3A_1] : memref<8x150x50xf32, #tpu.memory_space<vmem>>, vector<8x150x50xf32>
    %reshape3A = vector.shape_cast %get3A_2 : vector<8x150x50xf32> to vector<1200x50xf32>
    %get3A_3 = arith.constant 0 : index
    %get3A_4 = arith.constant 0 : index
    %get3A_5 = vector.load %arg3[%get3A_3, %get3A_4] : memref<1200x64xf32, #tpu.memory_space<vmem>>, vector<1200x64xf32>
    %get3A_6 = arith.constant 0 : index
    %get3A_7 = arith.constant 0 : index
    %get3A_8 = arith.constant 0 : index
    %get3A_9 = vector.load %arg4[%get3A_6, %get3A_7, %get3A_8] : memref<8x150x4xi32, #tpu.memory_space<vmem>>, vector<8x150x4xi32>
    %reshape3A_10 = vector.shape_cast %get3A_9 : vector<8x150x4xi32> to vector<1200x4xi32>
    %broadcast_in_dim3A = arith.constant 1.000000e+00 : f32
    %broadcast_in_dim3A_11 = vector.broadcast %broadcast_in_dim3A : f32 to vector<1x64xf32>
    %iota3A = tpu.iota {dimensions = array<i32: 1>} : vector<1200x4xi32>
    %eq3A = arith.cmpi eq, %reshape3A_10, %iota3A : vector<1200x4xi32>
    %convert_element_type3A = arith.extui %eq3A : vector<1200x4xi1> to vector<1200x4xi32>
    %convert_element_type3A_12 = arith.sitofp %convert_element_type3A : vector<1200x4xi32> to vector<1200x4xf32>
    %get3A_13 = arith.constant 0 : index
    %get3A_14 = arith.constant 0 : index
    %get3A_15 = vector.load %arg9[%get3A_13, %get3A_14] : memref<4x64xf32, #tpu.memory_space<vmem>>, vector<4x64xf32>
    %get3A_16 = arith.constant 64 : index
    %get3A_17 = arith.constant 0 : index
    %get3A_18 = vector.load %arg6[%get3A_16, %get3A_17] : memref<192x64xf32, #tpu.memory_space<vmem>>, vector<64x64xf32>
    %dot_general3A = arith.constant dense<0.000000e+00> : vector<4x64xf32>
    %dot_general3A_19 = tpu.matmul %get3A_15, %get3A_18, %dot_general3A {dimension_numbers = #tpu.dot_dimension_numbers<[1], [0], [0], [1], [0, 0, 1, 1], [], []>, transpose_lhs_hint = false} : vector<4x64xf32>, vector<64x64xf32>, vector<4x64xf32> -> vector<4x64xf32>
    %dot_general3A_20 = arith.constant dense<0.000000e+00> : vector<1200x64xf32>
    %dot_general3A_21 = tpu.matmul %convert_element_type3A_12, %dot_general3A_19, %dot_general3A_20 {dimension_numbers = #tpu.dot_dimension_numbers<[1], [0], [0], [1], [0, 0, 1, 1], [], []>, transpose_lhs_hint = false} : vector<1200x4xf32>, vector<4x64xf32>, vector<1200x64xf32> -> vector<1200x64xf32>
    %iota3A_22 = tpu.iota {dimensions = array<i32: 0>} : vector<4x64xi32>
    %gt3A = arith.constant 0 : i32
    %gt3A_23 = vector.broadcast %gt3A : i32 to vector<4x64xi32>
    %gt3A_24 = arith.cmpi sgt, %iota3A_22, %gt3A_23 : vector<4x64xi32>
    %convert_element_type3A_25 = arith.extui %gt3A_24 : vector<4x64xi1> to vector<4x64xi32>
    %convert_element_type3A_26 = arith.sitofp %convert_element_type3A_25 : vector<4x64xi32> to vector<4x64xf32>
    %dot_general3A_27 = arith.constant dense<0.000000e+00> : vector<1200x64xf32>
    %dot_general3A_28 = tpu.matmul %convert_element_type3A_12, %convert_element_type3A_26, %dot_general3A_27 {dimension_numbers = #tpu.dot_dimension_numbers<[1], [0], [0], [1], [0, 0, 1, 1], [], []>, transpose_lhs_hint = false} : vector<1200x4xf32>, vector<4x64xf32>, vector<1200x64xf32> -> vector<1200x64xf32>
    %get3A_29 = arith.constant 0 : index
    %get3A_30 = arith.constant 0 : index
    %get3A_31 = vector.load %arg5[%get3A_29, %get3A_30] : memref<50x64xf32, #tpu.memory_space<vmem>>, vector<50x64xf32>
    %dot_general3A_32 = arith.constant dense<0.000000e+00> : vector<1200x64xf32>
    %dot_general3A_33 = tpu.matmul %reshape3A, %get3A_31, %dot_general3A_32 {dimension_numbers = #tpu.dot_dimension_numbers<[1], [0], [0], [1], [0, 0, 1, 1], [], []>, transpose_lhs_hint = false} : vector<1200x50xf32>, vector<50x64xf32>, vector<1200x64xf32> -> vector<1200x64xf32>
    %reduce_sum3A = arith.constant dense<0.000000e+00> : vector<1200xf32>
    %reduce_sum3A_34 = vector.multi_reduction <add>, %reshape3A, %reduce_sum3A [1] : vector<1200x50xf32> to vector<1200xf32>
    %broadcast_in_dim3A_35 = vector.shape_cast %reduce_sum3A_34 : vector<1200xf32> to vector<1200x1xf32>
    %add3A = arith.constant 9.99999971E-10 : f32
    %add3A_36 = vector.broadcast %add3A : f32 to vector<1200x1xf32>
    %add3A_37 = arith.addf %broadcast_in_dim3A_35, %add3A_36 : vector<1200x1xf32>
    %div3A = arith.constant 1.000000e+00 : f32
    %div3A_38 = vector.broadcast %div3A : f32 to vector<1200x1xf32>
    %div3A_39 = arith.divf %div3A_38, %add3A_37 : vector<1200x1xf32>
    %dot_general3A_40 = arith.constant dense<0.000000e+00> : vector<1200x64xf32>
    %dot_general3A_41 = tpu.matmul %div3A_39, %broadcast_in_dim3A_11, %dot_general3A_40 {dimension_numbers = #tpu.dot_dimension_numbers<[1], [0], [0], [1], [0, 0, 1, 1], [], []>, transpose_lhs_hint = false} : vector<1200x1xf32>, vector<1x64xf32>, vector<1200x64xf32> -> vector<1200x64xf32>
    %mul3A = arith.mulf %dot_general3A_33, %dot_general3A_41 : vector<1200x64xf32>
    %mul3A_42 = arith.mulf %mul3A, %dot_general3A_28 : vector<1200x64xf32>
    %get3A_43 = arith.constant 0 : index
    %get3A_44 = arith.constant 0 : index
    %get3A_45 = vector.load %arg6[%get3A_43, %get3A_44] : memref<192x64xf32, #tpu.memory_space<vmem>>, vector<64x64xf32>
    %dot_general3A_46 = arith.constant dense<0.000000e+00> : vector<1200x64xf32>
    %dot_general3A_47 = tpu.matmul %get3A_5, %get3A_45, %dot_general3A_46 {dimension_numbers = #tpu.dot_dimension_numbers<[1], [0], [0], [1], [0, 0, 1, 1], [], []>, transpose_lhs_hint = false} : vector<1200x64xf32>, vector<64x64xf32>, vector<1200x64xf32> -> vector<1200x64xf32>
    %get3A_48 = arith.constant 128 : index
    %get3A_49 = arith.constant 0 : index
    %get3A_50 = vector.load %arg6[%get3A_48, %get3A_49] : memref<192x64xf32, #tpu.memory_space<vmem>>, vector<64x64xf32>
    %dot_general3A_51 = arith.constant dense<0.000000e+00> : vector<1200x64xf32>
    %dot_general3A_52 = tpu.matmul %mul3A_42, %get3A_50, %dot_general3A_51 {dimension_numbers = #tpu.dot_dimension_numbers<[1], [0], [0], [1], [0, 0, 1, 1], [], []>, transpose_lhs_hint = false} : vector<1200x64xf32>, vector<64x64xf32>, vector<1200x64xf32> -> vector<1200x64xf32>
    %add3A_53 = arith.addf %dot_general3A_47, %dot_general3A_52 : vector<1200x64xf32>
    %add3A_54 = arith.addf %add3A_53, %dot_general3A_21 : vector<1200x64xf32>
    %get3A_55 = arith.constant 0 : index
    %get3A_56 = arith.constant 0 : index
    %get3A_57 = arith.constant 0 : index
    %get3A_58 = vector.load %arg1[%get3A_55, %get3A_56, %get3A_57] : memref<8x150x150xf32, #tpu.memory_space<vmem>>, vector<8x150x150xf32>
    %gt3A_59 = arith.constant 0.000000e+00 : f32
    %gt3A_60 = vector.broadcast %gt3A_59 : f32 to vector<8x150x150xf32>
    %gt3A_61 = arith.cmpf ogt, %get3A_58, %gt3A_60 : vector<8x150x150xf32>
    %convert_element_type3A_62 = arith.extui %gt3A_61 : vector<8x150x150xi1> to vector<8x150x150xi32>
    %convert_element_type3A_63 = arith.sitofp %convert_element_type3A_62 : vector<8x150x150xi32> to vector<8x150x150xf32>
    %reduce_sum3A_64 = arith.constant dense<0.000000e+00> : vector<8x150xf32>
    %reduce_sum3A_65 = vector.multi_reduction <add>, %convert_element_type3A_63, %reduce_sum3A_64 [2] : vector<8x150x150xf32> to vector<8x150xf32>
    %broadcast_in_dim3A_66 = vector.shape_cast %reduce_sum3A_65 : vector<8x150xf32> to vector<8x150x1xf32>
    %reshape3A_67 = vector.shape_cast %broadcast_in_dim3A_66 : vector<8x150x1xf32> to vector<1200x1xf32>
    %add3A_68 = arith.constant 9.99999971E-10 : f32
    %add3A_69 = vector.broadcast %add3A_68 : f32 to vector<1200x1xf32>
    %add3A_70 = arith.addf %reshape3A_67, %add3A_69 : vector<1200x1xf32>
    %div3A_71 = arith.constant 1.000000e+00 : f32
    %div3A_72 = vector.broadcast %div3A_71 : f32 to vector<1200x1xf32>
    %div3A_73 = arith.divf %div3A_72, %add3A_70 : vector<1200x1xf32>
    %dot_general3A_74 = arith.constant dense<0.000000e+00> : vector<1200x64xf32>
    %dot_general3A_75 = tpu.matmul %div3A_73, %broadcast_in_dim3A_11, %dot_general3A_74 {dimension_numbers = #tpu.dot_dimension_numbers<[1], [0], [0], [1], [0, 0, 1, 1], [], []>, transpose_lhs_hint = false} : vector<1200x1xf32>, vector<1x64xf32>, vector<1200x64xf32> -> vector<1200x64xf32>
    %get3A_76 = arith.constant 0 : index
    %get3A_77 = arith.constant 0 : index
    %get3A_78 = vector.load %arg7[%get3A_76, %get3A_77] : memref<64x64xf32, #tpu.memory_space<vmem>>, vector<64x64xf32>
    %get3A_79 = arith.constant 0 : index
    %get3A_80 = arith.constant 0 : index
    %get3A_81 = vector.load %arg8[%get3A_79, %get3A_80] : memref<1x64xf32, #tpu.memory_space<vmem>>, vector<1x64xf32>
    %get3A_82 = vector.shape_cast %get3A_81 : vector<1x64xf32> to vector<64xf32>
    %reshape3A_83 = vector.shape_cast %add3A_54 : vector<1200x64xf32> to vector<8x150x64xf32>
    %dot_general3A_84 = arith.constant dense<0.000000e+00> : vector<8x150x64xf32>
    %dot_general3A_85 = tpu.matmul %convert_element_type3A_63, %reshape3A_83, %dot_general3A_84 {dimension_numbers = #tpu.dot_dimension_numbers<[2], [1], [1], [2], [0, 0, 0, 1, 1, 2], [0], [0]>, transpose_lhs_hint = false} : vector<8x150x150xf32>, vector<8x150x64xf32>, vector<8x150x64xf32> -> vector<8x150x64xf32>
    %reshape3A_86 = vector.shape_cast %dot_general3A_85 : vector<8x150x64xf32> to vector<1200x64xf32>
    %mul3A_87 = arith.mulf %reshape3A_86, %dot_general3A_75 : vector<1200x64xf32>
    %dot_general3A_88 = arith.constant dense<0.000000e+00> : vector<1200x64xf32>
    %dot_general3A_89 = tpu.matmul %mul3A_87, %get3A_78, %dot_general3A_88 {dimension_numbers = #tpu.dot_dimension_numbers<[1], [0], [0], [1], [0, 0, 1, 1], [], []>, transpose_lhs_hint = false} : vector<1200x64xf32>, vector<64x64xf32>, vector<1200x64xf32> -> vector<1200x64xf32>
    %broadcast_in_dim3A_90 = vector.shape_cast %get3A_82 : vector<64xf32> to vector<1x64xf32>
    %add3A_91 = vector.broadcast %broadcast_in_dim3A_90 : vector<1x64xf32> to vector<1200x64xf32>
    %add3A_92 = arith.addf %dot_general3A_89, %add3A_91 : vector<1200x64xf32>
    %max3A = arith.constant 0.000000e+00 : f32
    %max3A_93 = vector.broadcast %max3A : f32 to vector<1200x64xf32>
    %max3A_94 = arith.maximumf %add3A_92, %max3A_93 : vector<1200x64xf32>
    %mul3A_95 = arith.mulf %max3A_94, %dot_general3A_28 : vector<1200x64xf32>
    %reshape3A_96 = vector.shape_cast %mul3A_95 : vector<1200x64xf32> to vector<8x150x64xf32>
    %dot_general3A_97 = arith.constant dense<0.000000e+00> : vector<8x150x64xf32>
    %dot_general3A_98 = tpu.matmul %convert_element_type3A_63, %reshape3A_96, %dot_general3A_97 {dimension_numbers = #tpu.dot_dimension_numbers<[2], [1], [1], [2], [0, 0, 0, 1, 1, 2], [0], [0]>, transpose_lhs_hint = false} : vector<8x150x150xf32>, vector<8x150x64xf32>, vector<8x150x64xf32> -> vector<8x150x64xf32>
    %reshape3A_99 = vector.shape_cast %dot_general3A_98 : vector<8x150x64xf32> to vector<1200x64xf32>
    %mul3A_100 = arith.mulf %reshape3A_99, %dot_general3A_75 : vector<1200x64xf32>
    %dot_general3A_101 = arith.constant dense<0.000000e+00> : vector<1200x64xf32>
    %dot_general3A_102 = tpu.matmul %mul3A_100, %get3A_78, %dot_general3A_101 {dimension_numbers = #tpu.dot_dimension_numbers<[1], [0], [0], [1], [0, 0, 1, 1], [], []>, transpose_lhs_hint = false} : vector<1200x64xf32>, vector<64x64xf32>, vector<1200x64xf32> -> vector<1200x64xf32>
    %broadcast_in_dim3A_103 = vector.shape_cast %get3A_82 : vector<64xf32> to vector<1x64xf32>
    %add3A_104 = vector.broadcast %broadcast_in_dim3A_103 : vector<1x64xf32> to vector<1200x64xf32>
    %add3A_105 = arith.addf %dot_general3A_102, %add3A_104 : vector<1200x64xf32>
    %max3A_106 = arith.constant 0.000000e+00 : f32
    %max3A_107 = vector.broadcast %max3A_106 : f32 to vector<1200x64xf32>
    %max3A_108 = arith.maximumf %add3A_105, %max3A_107 : vector<1200x64xf32>
    %mul3A_109 = arith.mulf %max3A_108, %dot_general3A_28 : vector<1200x64xf32>
    %reshape3A_110 = vector.shape_cast %mul3A_109 : vector<1200x64xf32> to vector<8x150x64xf32>
    %swap3A = arith.constant 0 : index
    %swap3A_111 = arith.constant 0 : index
    %swap3A_112 = arith.constant 0 : index
    %swap3A_113 = vector.load %arg10[%swap3A, %swap3A_111, %swap3A_112] : memref<8x150x64xf32, #tpu.memory_space<vmem>>, vector<8x150x64xf32>
    tpu.vector_store %arg10[%swap3A, %swap3A_111, %swap3A_112], %reshape3A_110 {strides = array<i32>} : memref<8x150x64xf32, #tpu.memory_space<vmem>>, vector<8x150x64xf32>,
    return
  }
  func.func @transform_0(%arg0: i32) -> (i32, i32, i32) {
    %c0_i32 = arith.constant 0 : i32
    %c0_i32_0 = arith.constant 0 : i32
    %c0_i32_1 = arith.constant 0 : i32
    return %arg0, %c0_i32, %c0_i32_0 : i32, i32, i32
  }
  func.func @transform_1(%arg0: i32) -> (i32, i32, i32) {
    %c0_i32 = arith.constant 0 : i32
    %c0_i32_0 = arith.constant 0 : i32
    %c0_i32_1 = arith.constant 0 : i32
    return %arg0, %c0_i32, %c0_i32_0 : i32, i32, i32
  }
  func.func @transform_2(%arg0: i32) -> (i32, i32) {
    %c0_i32 = arith.constant 0 : i32
    %c0_i32_0 = arith.constant 0 : i32
    return %arg0, %c0_i32 : i32, i32
  }
  func.func @transform_3(%arg0: i32) -> (i32, i32, i32) {
    %c0_i32 = arith.constant 0 : i32
    %c0_i32_0 = arith.constant 0 : i32
    %c0_i32_1 = arith.constant 0 : i32
    return %arg0, %c0_i32, %c0_i32_0 : i32, i32, i32
  }
  func.func @transform_4(%arg0: i32) -> (i32, i32) {
    %c0_i32 = arith.constant 0 : i32
    %c0_i32_0 = arith.constant 0 : i32
    %c0_i32_1 = arith.constant 0 : i32
    return %c0_i32, %c0_i32_0 : i32, i32
  }
  func.func @transform_5(%arg0: i32) -> (i32, i32) {
    %c0_i32 = arith.constant 0 : i32
    %c0_i32_0 = arith.constant 0 : i32
    %c0_i32_1 = arith.constant 0 : i32
    return %c0_i32, %c0_i32_0 : i32, i32
  }
  func.func @transform_6(%arg0: i32) -> (i32, i32) {
    %c0_i32 = arith.constant 0 : i32
    %c0_i32_0 = arith.constant 0 : i32
    %c0_i32_1 = arith.constant 0 : i32
    return %c0_i32, %c0_i32_0 : i32, i32
  }
  func.func @transform_7(%arg0: i32) -> (i32, i32) {
    %c0_i32 = arith.constant 0 : i32
    %c0_i32_0 = arith.constant 0 : i32
    %c0_i32_1 = arith.constant 0 : i32
    return %c0_i32, %c0_i32_0 : i32, i32
  }
  func.func @transform_8(%arg0: i32) -> (i32, i32) {
    %c0_i32 = arith.constant 0 : i32
    %c0_i32_0 = arith.constant 0 : i32
    %c0_i32_1 = arith.constant 0 : i32
    return %c0_i32, %c0_i32_0 : i32, i32
  }
  func.func @transform_9(%arg0: i32) -> (i32, i32, i32) {
    %c0_i32 = arith.constant 0 : i32
    %c0_i32_0 = arith.constant 0 : i32
    %c0_i32_1 = arith.constant 0 : i32
    return %arg0, %c0_i32, %c0_i32_0 : i32, i32, i32
  }
}

</mosaic_0001>

<sc_bundles>
// kernel: kernel.4.cloned.1.call-start
scs
__scs_entry_jumppad:
0x0: {  	(pc) =	sbr.rel $0x88, $3  }
0x1: {  	(tag) =	ssettag $0x0;
	lr =	simm.s32 $0x1  }
0x2: {  	[smem:$0x3F97] =	sst lr;
	_ =	strace $0xD0000000  }
0x3: {  	_ = 	snop  }
0x4: {  	_ = 	snop  }
0x5: {  	_ = 	snop  }
0x6: {  	_ = 	snop  }
0x7: {  	_ = 	snop  }
__scs_overlays_trampoline_lowered:
0x8: {  	[smem:$0x3FA6] =	sst s0  }
0x9: {  	[smem:$0x3FA7] =	sst s1  }
0xa: {  	[smem:$0x3FA8] =	sst s2  }
0xb: {  	[smem:$0x3FA9] =	sst s3  }
0xc: {  	[smem:$0x3FAA] =	sst s4  }
0xd: {  	[smem:$0x3FAB] =	sst s5  }
0xe: {  	[smem:$0x3FAC] =	sst s6  }
0xf: {  	[smem:$0x3FAD] =	sst s7  }
0x10: {  	[smem:$0x3FAE] =	sst s8  }
0x11: {  	[smem:$0x3FAF] =	sst s9;
	s0 =	simm.s32 @!p0 $0x0  }
0x12: {  	s1 =	sld [smem:$0x3F95];
	s0 =	simm.s32 @p0 $0x1  }
0x13: {  	[smem:$0x3FB0] =	sst s0;
	s0 =	simm.s32 @!p1 $0x0  }
0x14: {  	s2 =	sld [smem:$0x3F94];
	s0 =	simm.s32 @p1 $0x1  }
0x15: {  	[smem:$0x3FB1] =	sst s0;
	s0 =	simm.s32 @!p2 $0x0  }
0x16: {  	s3 =	sld [smem:$0x3FDB];
	s0 =	simm.s32 @p2 $0x1  }
0x17: {  	s4 =	simm.s32 $0x1BF5;
	[smem:$0x3FB3] =	sst s0  }
0x18: {  	s0 =	sld [smem:$0x3F96];
	_ =	swait.ge [sflag:s4], $0x0  }
0x19: {  	s7 =	sld [smem:$0x3F97]  }
0x1a: {  	s8 =	sadd.s32 $0xFFFFE003, lr  }
0x1b: {  	s9 =	sadd.s32 $0xFFFFFEF7, lr;
	s5 =	simm.s32 $0xFFFFFFFF;
	p2 =	slt.u32 s8, $0xFFFFF086  }
0x1c: {  	p1 =	slt.u32 s9, $0xF7A;
	s5 =	simm.s32 @!p2 $0x0  }
0x1d: {  	s5 =	simm.s32 @p1 $0x1;
	p0 =	seq.s32 s7, s2  }
0x1e: {  	s7 =	smul.u32 @!p0 $0xF7A, s2;
	p2 =	seq.s32 @!p0 s5, $0x0  }
0x1f: {  	s9 =	smul.u32 $0xF7A, s1;
	s8 =	simm.s32 @!p0 $0x1BF5;
	p2 =	por !p2, p0  }
0x20: {  	[sflag:s8] =	ssyncset.s32 @!p0 $0xFFFFF086;
	s6 =	sadd.s32 @!p0 s3, s7;
	s7 =	simm.s32 @!p0 $0x108  }
0x21: {  	s3 =	sadd.s32 s3, s9;
	s6 =	sadd.s32 @!p0 $0x88, s6;
	s7 =	simm.s32 @p2 $0x1082  }
0x22: {  	[simem:s7], [sflag:s8] =	dma.local @!p0 [hbm:s6], $0xF7A  }
0x23: {  	s9 =	sor.u32 $0xD0000000, s2;
	s6 =	simm.s32 $0x108;
	_ =	swait.ge @!p0 [sflag:s8], $0x0  }
0x24: {  	s3 =	sadd.s32 $0x88, s3;
	s6 =	simm.s32 @!p1 $0x1082;
	[sflag:s4] =	ssyncset.s32 $0xFFFFF086  }
0x25: {  	[simem:s6], [sflag:s4] =	dma.local [hbm:s3], $0xF7A  }
0x26: {  	[smem:$0x3F97] =	sst s1;
	(tag) =	ssettag s2;
	_ =	strace s9  }
0x27: {  	s1 =	sld [smem:$0x3FA7]  }
0x28: {  	s2 =	sld [smem:$0x3FA8]  }
0x29: {  	s4 =	sld [smem:$0x3FAA]  }
0x2a: {  	p0 =	seq.s32 s5, $0x0;
	s5 =	sld [smem:$0x3FAB]  }
0x2b: {  	s6 =	sld [smem:$0x3FAC]  }
0x2c: {  	s7 =	sld [smem:$0x3FAD]  }
0x2d: {  	s3 =	simm.s32 $0x108;
	s8 =	sld [smem:$0x3FAE]  }
0x2e: {  	s3 =	simm.s32 @!p0 $0x1082;
	s9 =	sld [smem:$0x3FAF]  }
0x2f: {  	lr =	sadd.s32 s0, s3;
	s0 =	sld [smem:$0x3FA6]  }
0x30: {  	s3 =	sld [smem:$0x3FA9]  }
0x31: {  	[smem:$0x3FB2] =	sst s10  }
0x32: {  	s10 =	sld [smem:$0x3FB0];
	_ =	sdelay $0x3  }
0x33: {  	p0 =	seq.s32 s10, $0x1;
	s10 =	sld [smem:$0x3FB2];
	_ =	sdelay $0x3  }
0x34: {  	[smem:$0x3FB2] =	sst s10  }
0x35: {  	s10 =	sld [smem:$0x3FB1];
	_ =	sdelay $0x3  }
0x36: {  	p1 =	seq.s32 s10, $0x1;
	s10 =	sld [smem:$0x3FB2];
	_ =	sdelay $0x3  }
0x37: {  	[smem:$0x3FB2] =	sst s10  }
0x38: {  	s10 =	sld [smem:$0x3FB3]  }
0x39: {  	_ = 	snop;
	(pc) =	sbr.ind lr, $3  }
0x3a: {  	_ = 	snop  }
0x3b: {  	_ = 	snop  }
0x3c: {  	p2 =	seq.s32 s10, $0x1;
	s10 =	sld [smem:$0x3FB2]  }
0x3d: {  	_ =	shalt  }
0x3e: {  	_ =	shalt  }
0x3f: {  	_ =	shalt  }
0x40: {  	_ =	shalt  }
0x41: {  	_ =	shalt  }
0x42: {  	_ =	shalt  }
0x43: {  	_ =	shalt  }
0x44: {  	_ =	shalt  }
0x45: {  	_ =	shalt  }
0x46: {  	_ =	shalt  }
0x47: {  	_ =	shalt  }
0x48: {  	_ =	shalt  }
0x49: {  	_ =	shalt  }
0x4a: {  	_ =	shalt  }
0x4b: {  	_ =	shalt  }
0x4c: {  	_ =	shalt  }
0x4d: {  	_ =	shalt  }
0x4e: {  	_ =	shalt  }
0x4f: {  	_ =	shalt  }
0x50: {  	_ =	shalt  }
0x51: {  	_ =	shalt  }
0x52: {  	_ =	shalt  }
0x53: {  	_ =	shalt  }
0x54: {  	_ =	shalt  }
0x55: {  	_ =	shalt  }
0x56: {  	_ =	shalt  }
0x57: {  	_ =	shalt  }
0x58: {  	_ =	shalt  }
0x59: {  	_ =	shalt  }
0x5a: {  	_ =	shalt  }
0x5b: {  	_ =	shalt  }
0x5c: {  	_ =	shalt  }
0x5d: {  	_ =	shalt  }
0x5e: {  	_ =	shalt  }
0x5f: {  	_ =	shalt  }
0x60: {  	_ =	shalt  }
0x61: {  	_ =	shalt  }
0x62: {  	_ =	shalt  }
0x63: {  	_ =	shalt  }
0x64: {  	_ =	shalt  }
0x65: {  	_ =	shalt  }
0x66: {  	_ =	shalt  }
0x67: {  	_ =	shalt  }
0x68: {  	_ =	shalt  }
0x69: {  	_ =	shalt  }
0x6a: {  	_ =	shalt  }
0x6b: {  	_ =	shalt  }
0x6c: {  	_ =	shalt  }
0x6d: {  	_ =	shalt  }
0x6e: {  	_ =	shalt  }
0x6f: {  	_ =	shalt  }
0x70: {  	_ =	shalt  }
0x71: {  	_ =	shalt  }
0x72: {  	_ =	shalt  }
0x73: {  	_ =	shalt  }
0x74: {  	_ =	shalt  }
0x75: {  	_ =	shalt  }
0x76: {  	_ =	shalt  }
0x77: {  	_ =	shalt  }
0x78: {  	_ =	shalt  }
0x79: {  	_ =	shalt  }
0x7a: {  	_ =	shalt  }
0x7b: {  	_ =	shalt  }
0x7c: {  	_ =	shalt  }
0x7d: {  	_ =	shalt  }
0x7e: {  	_ =	shalt  }
0x7f: {  	_ =	shalt  }
0x80: {  	_ =	shalt  }
0x81: {  	_ =	shalt  }
0x82: {  	_ =	shalt  }
0x83: {  	_ =	shalt  }
0x84: {  	_ =	shalt  }
0x85: {  	_ =	shalt  }
0x86: {  	_ =	shalt  }
0x87: {  	_ =	shalt  }
.Lfunc_end0:
.L_simem_size_0:
called_computation_lowered:
.L_overlay_start_0:
0x88: {  	s2 =	sld [smem:$0x3FD9]  }
0x89: {  	s3 =	sld [smem:$0x3FFE];
	_ =	sdelay $0x1  }
0x8a: {  	s1 =	srdreg.scid  }
0x8b: {  	s0 =	sand.u32 $0x1, s1  }
0x8c: {  	s17 =	sshll.u32 s0, $0xA;
	s2 =	sadd.s32 s3, s2  }
0x8d: {  	s2 =	sadd.s32 s2, s17  }
0x8e: {  	[smem:$0x3FBE] =	sst s2  }
0x8f: {  	_ = 	snop  }
0x90: {  	s2 =	sld [smem:$0x3FD0];
	(tm) =	ssettm $0x1  }
0x91: {  	s18 =	sld [smem:$0x3FFB];
	_ =	sdelay $0x3  }
0x92: {  	_ =	strace s18  }
0x93: {  	s3 =	sld [smem:$0x3FFC];
	_ =	sdelay $0x3  }
0x94: {  	_ =	strace s3  }
0x95: {  	s3 =	sld [smem:$0x3FFD];
	_ =	sdelay $0x3  }
0x96: {  	_ =	strace s3  }
0x97: {  	_ =	strace $0x8FFFFFFF  }
0x98: {  	s19 =	sld [smem:$0x3FDB];
	_ =	sdelay $0x1  }
0x99: {  	s4 =	simm.s32 $_scs_section_size  }
0x9a: {  	s5 =	simm.s32 $_size__tile_overlayer_lowered;
	s6 =	simm.s32 $_tile_overlayer_lowered  }
0x9b: {  	s22 =	simm.s32 $0x1BFF;
	s21 =	sshll.u32 s6, $0x1;
	s3 =	sadd.s32 s4, s19  }
0x9c: {  	s7 =	simm.s32 $0x0;
	s20 =	sshll.u32 s5, $0x1;
	s5 =	sadd.s32 s21, s3  }
0x9d: {  	[timem:s7], [sflag:s22] =	dma.local [hbm:s5], s20  }
0x9e: {  	_ =	swait.ge [sflag:s22], s20  }
0x9f: {  	s4 =	ssub.s32 $0x0, s20;
	[sflag:s22] =	ssyncset.done $0x0  }
0xa0: {  	[sflag:s22] =	ssyncadd.s32 s4;
	_ =	sdelay $0x1  }
0xa1: {  	s23 =	simm.s32 $0x1B8B  }
0xa2: {  	_ =	swait.ge [sflag:s23], $0x1  }
0xa3: {  	[sflag:s23] =	ssyncset.done $0x0  }
0xa4: {  	s25 =	simm.s32 $0x1B8E;
	s24 =	sld [smem:$0x3FFE];
	[sflag:s23] =	ssyncadd.s32 $0xFFFFFFFF  }
0xa5: {  	s26 =	simm.s32 $execute0_lowered;
	[smem:$0x3FD2] =	sst s25  }
0xa6: {  	s5 =	sshll.u32 s26, $0x1;
	_ =	strace $0x80000046;
	[dreg:$0x1] =	wrdreg $0xFFFFFFFF  }
0xa7: {  	s28 =	simm.s32 $_size_execute0_lowered;
	s3 =	sadd.s32 s3, s5;
	[dreg:$0x0] =	wrdreg $0x0  }
0xa8: {  	s5 =	sshll.u32 s28, $0x1;
	[dreg:$0x2] =	wrdreg s3  }
0xa9: {  	[dreg:$0x3] =	wrdreg s5  }
0xaa: {  	[dreg:$0x4] =	wrdreg $0xC0  }
0xab: {  	_ =	task [dreg:s7], $0x5FFFF  }
0xac: {  	[dreg:$0x1] =	wrdreg $0xFFFFFFFF  }
0xad: {  	[dreg:$0x0] =	wrdreg $0x60  }
0xae: {  	[dreg:$0x2] =	wrdreg s24  }
0xaf: {  	[dreg:$0x3] =	wrdreg s2  }
0xb0: {  	[dreg:$0x4] =	wrdreg $0x9  }
0xb1: {  	_ =	task.clear_ibuf [dreg:s7], $0x5FFFF;
	_ =	strace $0x90000046  }
0xb2: {  	s29 =	simm.s32 $0x9;
	_ =	strace $0x80000048  }
0xb3: {  	_ =	swait.ge [sflag:s29], $0x1  }
0xb4: {  	[sflag:s29] =	ssyncadd.s32 $0xFFFFFFFF  }
0xb5: {  	_ =	strace $0x90000048  }
0xb6: {  	_ =	sfence  }
0xb7: {  	s30 =	sld [smem:$0x0];
	_ =	sdelay $0x2  }
0xb8: {  	s31 =	sshll.u32 s1, $0xD;
	s1 =	sshrl.u32 s1, $0x2  }
0xb9: {  	s3 =	sand.u32 $0x4000, s31;
	s1 =	sadd.s32 s1, s30  }
0xba: {  	s0 =	sor.u32 s3, s0;
	s1 =	sshll.u32 s1, $0x11  }
0xbb: {  	s0 =	sor.u32 s1, s0  }
0xbc: {  	s0 =	sadd.s32 $0x8F2B, s0  }
0xbd: {  	[sflag:s0] =	ssyncadd.remote.s32 $0x1  }
0xbe: {  	_ =	sfence.sel $0xFFFF  }
0xbf: {  	[dreg:$0x0] =	wrdreg $0xFFFFFFFF;
	(pc) =	sbr.abs _section_cstart, $3  }
0xc0: {  	[dreg:$0x1] =	wrdreg $0xFFFFFFFF  }
0xc1: {  	_ =	task.clear_ibuf [dreg:s7], $0x2FFFF;
	_ =	strace $0x9FFFFFFF  }
0xc2: {  	(tm) =	ssettm $0x7FFFFFFF  }
0xc3: {  	_ =	shalt  }
tec
execute0_lowered:
.L_overlay_start_1:
0x0: {  	(tag) =	ssettag $0x1  }
0x1: {  	s1 =	srdreg.scid;
	s0 =	stileid.u32  }
0x2: {  	s6 =	sand.u32 $0x1, s1;
	s30 =	sshll.u32 s0, $0x1  }
0x3: {  	s5 =	rddreg [dreg:$0x0];
	s8 =	sor.u32 s6, s30  }
0x4: {  	s9 =	rddreg [dreg:$0x1];
	s2 =	simm.s32 $0x0;
	s3 =	smul.u32 $0x96, s8  }
0x5: {  	[smem:$0x7FF] =	sst s2  }
0x6: {  	s1 =	rddreg [dreg:$0x2];
	_ =	strace $0x80000047;
	s3 =	sadd.s32 s3, s5  }
0x7: {  	s10 =	ssub.s32 $0x2, s6;
	s4 =	sadd.s32 $0x2E00, s3;
	s3 =	simm.s32 $0x2  }
0x8: {  	[tilespmem:s2], [sflag:$0x2] =	stream.linear.gather [hbm4b:s4+s2], $0x4B0, $0x38;
	[tilespmem:$0x130B0] =	vst v63  }
0x9: {  	s7 =	simm.s32 $0x1;
	s11 =	sshrl.u32 s10, $0x1;
	_ =	swait.ge [sflag:s3], $0x4B0  }
0xa: {  	s6 =	simm.s32 $0x4B0;
	s10 =	ssub.s32 s10, s11;
	[sflag:s3] =	ssyncset.done $0x0  }
0xb: {  	s5 =	sadd.s32 $0x496E00, s5;
	s31 =	smax.u32 s10, $0x1;
	[sflag:s3] =	ssyncadd.s32 $0xFFFFFB50  }
0xc: {  	[tilespmem:s6], [sflag:$0x1] =	stream.indirect.gather [hbm4b:s5+s6], $0x40, s2, s6, $0xb8;
	[tilespmem:$0x130B0] =	vst v63  }
0xd: {  	s8 =	smul.u32 $0x2580, s8;
	p0 =	sne.s32 s31, $0x1;
	_ =	swait.ge [sflag:s7], $0x12C00  }
.Ltmp0:
0xe: {  	[sflag:s7] =	ssyncset.done $0x0;
	(pc) =	sbr.rel @!p0 .LBB2_2-.Ltmp0, $4  }
0xf: {  	s8 =	sadd.s32 s9, s8;
	[sflag:s7] =	ssyncadd.s32 $0xFFFED400  }
0x10: {  	[hbm4b:s8+s2] =	stream.linear.scatter [tilespmem:s6], [sflag:$0x2], $0x12C00, $0x38;
	[tilespmem:$0x130B0] =	vst v63  }
0x11: {  	_ =	swait.ge [sflag:s3], $0x12C00  }
0x12: {  	s9 =	sadd.s32 $0xFFFFFFFF, s31;
	[sflag:s3] =	ssyncset.done $0x0  }
.LBB2_1:
0x13: {  	p0 =	sne.s32 s9, $0x1;
	s9 =	sadd.s32 $0xFFFFFFFF, s9;
	[sflag:s3] =	ssyncadd.s32 $0xFFFED400  }
0x14: {  	[tilespmem:s2], [sflag:$0x2] =	stream.linear.gather [hbm4b:s4+s2], $0x4B0, $0x38;
	[tilespmem:$0x130B0] =	vst v63  }
0x15: {  	_ =	swait.ge [sflag:s3], $0x4B0  }
0x16: {  	[sflag:s3] =	ssyncset.done $0x0  }
0x17: {  	[sflag:s3] =	ssyncadd.s32 $0xFFFFFB50  }
0x18: {  	[tilespmem:s6], [sflag:$0x1] =	stream.indirect.gather [hbm4b:s5+s6], $0x40, s2, s6, $0xb8;
	[tilespmem:$0x130B0] =	vst v63  }
0x19: {  	_ =	swait.ge [sflag:s7], $0x12C00  }
.Ltmp1:
0x1a: {  	[sflag:s7] =	ssyncset.done $0x0;
	(pc) =	sbr.rel @p0 .LBB2_1-.Ltmp1, $4  }
0x1b: {  	[sflag:s7] =	ssyncadd.s32 $0xFFFED400  }
0x1c: {  	[hbm4b:s8+s2] =	stream.linear.scatter [tilespmem:s6], [sflag:$0x2], $0x12C00, $0x38;
	[tilespmem:$0x130B0] =	vst v63  }
0x1d: {  	_ =	swait.ge [sflag:s3], $0x12C00  }
0x1e: {  	[sflag:s3] =	ssyncset.done $0x0  }
.LBB2_2:
0x1f: {  	[sflag:s3] =	ssyncadd.s32 $0xFFFED400  }
0x20: {  	_ =	sfence.sel $0x180000  }
0x21: {  	[bflag:$0x0] =	sbarrier.arrive $0xFFFF  }
0x22: {  	p0 =	sne.s32 s0, $0x0;
	_ =	strace $0x90000047  }
0x23: {  	s0 =	sadd.s32 @!p0 $0x100000, s1;
	[bflag:$0x2] =	sbarrier.arrive $0xFFFF  }
0x24: {  	[sflag:s0] =	ssyncadd.tile.s32 @!p0 $0x1;
	_ =	shalt  }
.Lfunc_end2:
_tile_overlayer_lowered:
.L_overlay_start_2:
0x25: {  	(tag) =	ssettag $0x2  }
0x26: {  	s0 =	rddreg [dreg:$0x0];
	s2 =	stileid.u32  }
0x27: {  	s1 =	rddreg [dreg:$0x1];
	p0 =	sne.s32 s2, $0x0  }
0x28: {  	s3 =	rddreg [dreg:$0x2];
	[bflag:$0x3] =	sbarrier.arrive $0xFFFF;
	s2 =	simm.s32 @!p0 $0x1C02  }
0x29: {  	[timem:s3], [sflag:s2] =	dma.local @!p0 [hbm:s0], s1  }
0x2a: {  	s0 =	simm.s32 @!p0 $0x2  }
0x2b: {  	_ =	swait.ge @!p0 [sflag:s0], s1  }
0x2c: {  	s1 =	ssub.s32 @!p0 $0x0, s1;
	[sflag:s0] =	ssyncset.done @!p0 $0x0  }
0x2d: {  	[sflag:s0] =	ssyncadd.s32 @!p0 s1  }
0x2e: {  	[bflag:$0x3] =	sbarrier.arrive $0xFFFF  }
0x2f: {  	_ =	shalt  }

</sc_bundles>
